<compile_context>
chip_gen: v7x
topology: tpu7x:2x2x1
jax: 0.10.2.dev20260603
libtpu: 0.0.44.dev20260713+nightly
codegen_flags: <defaults>
</compile_context>

<pallas_src>
import functools

import jax
import jax.numpy as jnp
import numpy as np
from jax import lax
from jax.experimental import pallas as pl
from jax.experimental.pallas import tpu as pltpu
from jax.experimental.pallas import tpu_sc as plsc

VOCAB = 1000000
EMBED_DIM = 32
N_FIELDS = 26
BATCH = 16384
HIDDEN = 256
ALL_DIM = N_FIELDS * EMBED_DIM

NC = 2
NS = 16
NW = NC * NS

TOTAL = BATCH * N_FIELDS
PER_W = TOTAL // NW
CHUNK = 128
CPW = PER_W // CHUNK

XT = 7
XWORDS = BATCH * XT * 128
XROWS = XWORDS // EMBED_DIM

_n = np.arange(TOTAL)
_b, _f = _n // N_FIELDS, _n % N_FIELDS
DST_ROWS = (
    (_b // 8) * (XT * 32) + (_f // 4) * 32 + (_b % 8) * 4 + (_f % 4)
).astype(np.int32).reshape(NW, CPW, CHUNK)


def _gather_body(idx_hbm, dst_hbm, table_hbm, out_hbm,
                 idx_v, dst_v, rows_v, sem0, sem1, semw):
    wid = lax.axis_index("s") * NC + lax.axis_index("c")
    pltpu.sync_copy(idx_hbm.at[wid], idx_v)
    pltpu.sync_copy(dst_hbm.at[wid], dst_v)
    sems = (sem0, sem1)

    pltpu.async_copy(table_hbm.at[idx_v.at[0]], rows_v.at[0], sem0)

    def pair(k, carry):
        j0 = 2 * k
        for p in (0, 1):
            j = j0 + p
            nb = 1 - p

            @pl.when(j + 1 < CPW)
            def _prefetch():
                pltpu.async_copy(
                    table_hbm.at[idx_v.at[j + 1]], rows_v.at[nb], sems[nb]
                )

            pltpu.make_async_copy(
                table_hbm.at[idx_v.at[j]], rows_v.at[p], sems[p]
            ).wait()
            pltpu.async_copy(
                rows_v.at[p], out_hbm.at[dst_v.at[j]], semw
            ).wait()
        return carry

    lax.fori_loop(0, CPW // 2, pair, 0)


_gather = functools.partial(
    pl.kernel,
    out_type=jax.ShapeDtypeStruct((XROWS, EMBED_DIM), jnp.float32),
    mesh=plsc.VectorSubcoreMesh(core_axis_name="c", subcore_axis_name="s"),
    scratch_types=[
        pltpu.VMEM((CPW, CHUNK), jnp.int32),
        pltpu.VMEM((CPW, CHUNK), jnp.int32),
        pltpu.VMEM((2, CHUNK, EMBED_DIM), jnp.float32),
        pltpu.SemaphoreType.DMA,
        pltpu.SemaphoreType.DMA,
        pltpu.SemaphoreType.DMA,
    ],
    compiler_params=pltpu.CompilerParams(use_tc_tiling_on_sc=False),
)(_gather_body)


XPB = 16384
XSTEPS = 16
QPAD = XPB * XSTEPS


def _xpose_body(t0, t1, t2, t3, o_ref):
    cat = jnp.concatenate([t0[...], t1[...], t2[...], t3[...]], axis=0)
    o_ref[...] = cat.T


_xpose = pl.pallas_call(
    _xpose_body,
    grid=(XSTEPS,),
    in_specs=[
        pl.BlockSpec(
            (EMBED_DIM, XPB),
            lambda i, a=a: (0, jnp.minimum(a * XSTEPS + i, (VOCAB - 1) // XPB)),
        )
        for a in range(4)
    ],
    out_specs=pl.BlockSpec((XPB, 128), lambda i: (i, 0)),
    out_shape=jax.ShapeDtypeStruct((QPAD, 128), jnp.float32),
)


MLP_BB = 2048
MLP_RB = MLP_BB // 8


def _mlp_body(x_ref, w1_ref, b1_ref, w2_ref, b2_ref, o_ref):
    blk = x_ref[...]
    acc = jnp.zeros((MLP_BB, HIDDEN), jnp.float32)
    for g in range(XT):
        xg = blk[:, 8 * g:8 * g + 8, :].reshape(MLP_BB, 128)
        if g == XT - 1:
            lane = lax.broadcasted_iota(jnp.int32, (MLP_BB, 128), 1)
            xg = jnp.where(lane < 64, xg, 0.0)
        acc = acc + jnp.dot(
            xg, w1_ref[g * 128:(g + 1) * 128, :],
            preferred_element_type=jnp.float32,
        )
    h = jnp.maximum(acc + b1_ref[...], 0.0)
    oT = jax.lax.dot_general(
        w2_ref[...], h, (((0,), (1,)), ((), ())),
        preferred_element_type=jnp.float32,
    )
    o_ref[...] = oT + b2_ref[...]


_mlp = pl.pallas_call(
    _mlp_body,
    grid=(BATCH // MLP_BB,),
    in_specs=[
        pl.BlockSpec((MLP_RB, 8 * XT, 128), lambda i: (i, 0, 0)),
        pl.BlockSpec((XT * 128, HIDDEN), lambda i: (0, 0)),
        pl.BlockSpec((1, HIDDEN), lambda i: (0, 0)),
        pl.BlockSpec((HIDDEN, EMBED_DIM), lambda i: (0, 0)),
        pl.BlockSpec((EMBED_DIM, 1), lambda i: (0, 0)),
    ],
    out_specs=pl.BlockSpec((EMBED_DIM, MLP_BB), lambda i: (0, i)),
    out_shape=jax.ShapeDtypeStruct((EMBED_DIM, BATCH), jnp.float32),
)


def kernel(itemFeatures, table, W1, b1, W2, b2):
    tT = table.T
    packed = _xpose(tT, tT, tT, tT)
    table_rm = packed.reshape(4 * QPAD, EMBED_DIM)
    idx = 4 * (itemFeatures % QPAD) + itemFeatures // QPAD
    idx3 = idx.reshape(NW, CPW, CHUNK)
    xt = _gather(idx3, jnp.asarray(DST_ROWS), table_rm)
    x3 = xt.reshape(BATCH // 8, 8 * XT, 128)
    w1p = jnp.pad(W1, ((0, XT * 128 - ALL_DIM), (0, 0)))
    oT = _mlp(x3, w1p, b1.reshape(1, HIDDEN), W2, b2.reshape(EMBED_DIM, 1))
    return oT.T

# --- scband reference (transcript-rebuilt; emitter-appended) ---
"""Pipeline reference for scband-item-embedding-17763984736319 (READ-ONLY COPY).

The authoritative reference and input builder live on the scoring server;
editing this copy changes nothing except your own understanding.
"""

import jax, jax.numpy as jnp
import numpy as np

VOCAB = 1000000
EMBED_DIM = 32
N_FIELDS = 26
BATCH = 16384
HIDDEN = 256
ALL_DIM = N_FIELDS * EMBED_DIM

def setup_inputs(seed: int = 0) -> dict:
    key = jax.random.key(seed)
    k_idx, k_tab, k_w1, k_b1, k_w2, k_b2 = jax.random.split(key, 6)
    itemFeatures = jax.random.randint(k_idx, (BATCH, N_FIELDS), 0, VOCAB, dtype=jnp.int64 if jax.config.jax_enable_x64 else jnp.int32).astype(jnp.int32)
    table = jax.random.normal(k_tab, (VOCAB, EMBED_DIM), dtype=jnp.float32) * 0.02
    W1 = jax.random.normal(k_w1, (ALL_DIM, HIDDEN), dtype=jnp.float32) * (1.0 / np.sqrt(ALL_DIM))
    b1 = jnp.zeros((HIDDEN,), dtype=jnp.float32)
    W2 = jax.random.normal(k_w2, (HIDDEN, EMBED_DIM), dtype=jnp.float32) * (1.0 / np.sqrt(HIDDEN))
    b2 = jnp.zeros((EMBED_DIM,), dtype=jnp.float32)
    return {"itemFeatures": itemFeatures, "table": table, "W1": W1, "b1": b1, "W2": W2, "b2": b2}

def reference(itemFeatures, table, W1, b1, W2, b2):
    # EmbeddingTable: per-field gather from embedding table, concat across fields
    emb = jnp.take(table, itemFeatures, axis=0)              # [B, F, D]
    emb = emb.reshape(emb.shape[0], -1)                      # [B, F*D] == getAllDim()
    # embeddingNetwork: Linear -> ReLU -> Linear
    h = jax.nn.relu(emb @ W1 + b1)                           # [B, HIDDEN]
    out = h @ W2 + b2                                        # [B, EMBED_DIM]
    return out

if __name__ == "__main__":
    import jax
    _d = setup_inputs()
    print(jax.jit(kernel)(*tuple(_d.values())))

</pallas_src>

<mosaic_0001>
#map = affine_map<(d0, d1) -> (0, 0, 0)>
#map1 = affine_map<(d0, d1) -> (0, 0)>
module attributes {stable_mosaic.version = 14 : i64} {
  func.func @_gather_body(%arg0: i32, %arg1: i32, %arg2: memref<32x104x128xi32, #tpu.memory_space<hbm>>, %arg3: memref<32x104x128xi32, #tpu.memory_space<hbm>>, %arg4: memref<1048576x32xf32, #tpu.memory_space<hbm>>, %arg5: memref<458752x32xf32, #tpu.memory_space<hbm>>, %arg6: memref<104x128xi32, #tpu.memory_space<vmem>>, %arg7: memref<104x128xi32, #tpu.memory_space<vmem>>, %arg8: memref<2x128x32xf32, #tpu.memory_space<vmem>>, %arg9: memref<!tpu.dma_semaphore, #tpu.memory_space<semaphore_mem>>, %arg10: memref<!tpu.dma_semaphore, #tpu.memory_space<semaphore_mem>>, %arg11: memref<!tpu.dma_semaphore, #tpu.memory_space<semaphore_mem>>) attributes {dimension_semantics = [#tpu.dimension_semantics<core_parallel>, #tpu.dimension_semantics<subcore_parallel>], iteration_bounds = array<i64: 2, 16>, scalar_prefetch = 0 : i64, scratch_operands = 6 : i64, tpu.core_type = #tpu.core_type<sc_vector_subcore>, window_params = [{transform_indices = #map}, {transform_indices = #map}, {transform_indices = #map1}, {transform_indices = #map1}]} {
    %mul3A = arith.constant 2 : i32
    %mul3A_0 = arith.muli %arg1, %mul3A : i32
    %add3A = arith.addi %mul3A_0, %arg0 : i32
    "tpu.region"() ({
      %run_scoped3A = tpu.sem_alloc : memref<!tpu.dma_semaphore, #tpu.memory_space<semaphore_mem>>
      %dma_start3A_17 = arith.constant 0 : i32
      %dma_start3A_18 = arith.constant 0 : i32
      %dma_start3A_19 = tpu.memref_slice %arg2[%add3A, %dma_start3A_17, %dma_start3A_18] : memref<32x104x128xi32, #tpu.memory_space<hbm>> -> memref<1x104x128xi32, #tpu.memory_space<hbm>>
      %dma_start3A_20 = tpu.memref_squeeze %dma_start3A_19 : memref<1x104x128xi32, #tpu.memory_space<hbm>> -> memref<104x128xi32, #tpu.memory_space<hbm>>
      %dma_start3A_21 = arith.constant 0 : i32
      %dma_start3A_22 = arith.constant 0 : i32
      %dma_start3A_23 = tpu.memref_slice %arg2[%add3A, %dma_start3A_21, %dma_start3A_22] : memref<32x104x128xi32, #tpu.memory_space<hbm>> -> memref<1x104x128xi32, #tpu.memory_space<hbm>>
      %dma_start3A_24 = tpu.memref_squeeze %dma_start3A_23 : memref<1x104x128xi32, #tpu.memory_space<hbm>> -> memref<104x128xi32, #tpu.memory_space<hbm>>
      tpu.enqueue_dma source(%dma_start3A_24 : memref<104x128xi32, #tpu.memory_space<hbm>>) target(%arg6 : memref<104x128xi32, #tpu.memory_space<vmem>>) target_semaphore(%run_scoped3A : memref<!tpu.dma_semaphore, #tpu.memory_space<semaphore_mem>>)
      %dma_wait3A = arith.constant 0 : i32
      %dma_wait3A_25 = arith.constant 0 : i32
      %dma_wait3A_26 = tpu.memref_slice %arg2[%add3A, %dma_wait3A, %dma_wait3A_25] : memref<32x104x128xi32, #tpu.memory_space<hbm>> -> memref<1x104x128xi32, #tpu.memory_space<hbm>>
      %dma_wait3A_27 = tpu.memref_squeeze %dma_wait3A_26 : memref<1x104x128xi32, #tpu.memory_space<hbm>> -> memref<104x128xi32, #tpu.memory_space<hbm>>
      %dma_wait3A_28 = arith.constant 0 : i32
      %dma_wait3A_29 = arith.constant 0 : i32
      %dma_wait3A_30 = tpu.memref_slice %arg2[%add3A, %dma_wait3A_28, %dma_wait3A_29] : memref<32x104x128xi32, #tpu.memory_space<hbm>> -> memref<1x104x128xi32, #tpu.memory_space<hbm>>
      %dma_wait3A_31 = tpu.memref_squeeze %dma_wait3A_30 : memref<1x104x128xi32, #tpu.memory_space<hbm>> -> memref<104x128xi32, #tpu.memory_space<hbm>>
      tpu.wait_dma2 semaphore(%run_scoped3A : memref<!tpu.dma_semaphore, #tpu.memory_space<semaphore_mem>>) src(%dma_wait3A_31 : memref<104x128xi32, #tpu.memory_space<hbm>>) dst(%arg6 : memref<104x128xi32, #tpu.memory_space<vmem>>)
      tpu.yield
    }) : () -> ()
    "tpu.region"() ({
      %run_scoped3A = tpu.sem_alloc : memref<!tpu.dma_semaphore, #tpu.memory_space<semaphore_mem>>
      %dma_start3A_17 = arith.constant 0 : i32
      %dma_start3A_18 = arith.constant 0 : i32
      %dma_start3A_19 = tpu.memref_slice %arg3[%add3A, %dma_start3A_17, %dma_start3A_18] : memref<32x104x128xi32, #tpu.memory_space<hbm>> -> memref<1x104x128xi32, #tpu.memory_space<hbm>>
      %dma_start3A_20 = tpu.memref_squeeze %dma_start3A_19 : memref<1x104x128xi32, #tpu.memory_space<hbm>> -> memref<104x128xi32, #tpu.memory_space<hbm>>
      %dma_start3A_21 = arith.constant 0 : i32
      %dma_start3A_22 = arith.constant 0 : i32
      %dma_start3A_23 = tpu.memref_slice %arg3[%add3A, %dma_start3A_21, %dma_start3A_22] : memref<32x104x128xi32, #tpu.memory_space<hbm>> -> memref<1x104x128xi32, #tpu.memory_space<hbm>>
      %dma_start3A_24 = tpu.memref_squeeze %dma_start3A_23 : memref<1x104x128xi32, #tpu.memory_space<hbm>> -> memref<104x128xi32, #tpu.memory_space<hbm>>
      tpu.enqueue_dma source(%dma_start3A_24 : memref<104x128xi32, #tpu.memory_space<hbm>>) target(%arg7 : memref<104x128xi32, #tpu.memory_space<vmem>>) target_semaphore(%run_scoped3A : memref<!tpu.dma_semaphore, #tpu.memory_space<semaphore_mem>>)
      %dma_wait3A = arith.constant 0 : i32
      %dma_wait3A_25 = arith.constant 0 : i32
      %dma_wait3A_26 = tpu.memref_slice %arg3[%add3A, %dma_wait3A, %dma_wait3A_25] : memref<32x104x128xi32, #tpu.memory_space<hbm>> -> memref<1x104x128xi32, #tpu.memory_space<hbm>>
      %dma_wait3A_27 = tpu.memref_squeeze %dma_wait3A_26 : memref<1x104x128xi32, #tpu.memory_space<hbm>> -> memref<104x128xi32, #tpu.memory_space<hbm>>
      %dma_wait3A_28 = arith.constant 0 : i32
      %dma_wait3A_29 = arith.constant 0 : i32
      %dma_wait3A_30 = tpu.memref_slice %arg3[%add3A, %dma_wait3A_28, %dma_wait3A_29] : memref<32x104x128xi32, #tpu.memory_space<hbm>> -> memref<1x104x128xi32, #tpu.memory_space<hbm>>
      %dma_wait3A_31 = tpu.memref_squeeze %dma_wait3A_30 : memref<1x104x128xi32, #tpu.memory_space<hbm>> -> memref<104x128xi32, #tpu.memory_space<hbm>>
      tpu.wait_dma2 semaphore(%run_scoped3A : memref<!tpu.dma_semaphore, #tpu.memory_space<semaphore_mem>>) src(%dma_wait3A_31 : memref<104x128xi32, #tpu.memory_space<hbm>>) dst(%arg7 : memref<104x128xi32, #tpu.memory_space<vmem>>)
      tpu.yield
    }) : () -> ()
    %dma_start3A = arith.constant 0 : i32
    %dma_start3A_1 = arith.constant 0 : i32
    %dma_start3A_2 = arith.constant 0 : i32
    %dma_start3A_3 = arith.constant 0 : i32
    %dma_start3A_4 = tpu.memref_slice %arg8[%dma_start3A_1, %dma_start3A_2, %dma_start3A_3] : memref<2x128x32xf32, #tpu.memory_space<vmem>> -> memref<1x128x32xf32, #tpu.memory_space<vmem>>
    %dma_start3A_5 = tpu.memref_squeeze %dma_start3A_4 : memref<1x128x32xf32, #tpu.memory_space<vmem>> -> memref<128x32xf32, #tpu.memory_space<vmem>>
    %dma_start3A_6 = arith.constant 0 : i32
    %dma_start3A_7 = tpu.memref_slice %arg6[%dma_start3A, %dma_start3A_6] : memref<104x128xi32, #tpu.memory_space<vmem>> -> memref<1x128xi32, #tpu.memory_space<vmem>>
    %dma_start3A_8 = tpu.memref_squeeze %dma_start3A_7 : memref<1x128xi32, #tpu.memory_space<vmem>> -> memref<128xi32, #tpu.memory_space<vmem>>
    %dma_start3A_9 = arith.constant 0 : i32
    %dma_start3A_10 = arith.constant 0 : i32
    %dma_start3A_11 = tpu.memref_slice %arg4[%dma_start3A_9, %dma_start3A_10] : memref<1048576x32xf32, #tpu.memory_space<hbm>> -> memref<1048576x32xf32, #tpu.memory_space<hbm>>
    tpu.enqueue_indirect_dma source(%dma_start3A_11 : memref<1048576x32xf32, #tpu.memory_space<hbm>>) target(%dma_start3A_5 : memref<128x32xf32, #tpu.memory_space<vmem>>) offsets(%dma_start3A_8 : memref<128xi32, #tpu.memory_space<vmem>>) semaphore(%arg9 : memref<!tpu.dma_semaphore, #tpu.memory_space<semaphore_mem>>)
    %scan3A = arith.constant 0 : i32
    %scan3A_12 = arith.constant 0 : i32
    %scan3A_13 = arith.constant 52 : i32
    %scan3A_14 = arith.addi %scan3A_12, %scan3A_13 : i32
    %scan3A_15 = arith.constant 1 : i32
    scf.for %scan3A_17 = %scan3A_12 to %scan3A_14 step %scan3A_15  : i32 {
      %mul3A_18 = arith.constant 2 : i32
      %mul3A_19 = arith.muli %mul3A_18, %scan3A_17 : i32
      %add3A_20 = arith.constant 0 : i32
      %add3A_21 = arith.addi %mul3A_19, %add3A_20 : i32
      %add3A_22 = arith.constant 1 : i32
      %add3A_23 = arith.addi %add3A_21, %add3A_22 : i32
      %lt3A = arith.constant 104 : i32
      %lt3A_24 = arith.cmpi slt, %add3A_23, %lt3A : i32
      %convert_element_type3A = arith.extui %lt3A_24 : i1 to i32
      %cond3A = arith.constant 0 : i32
      %cond3A_25 = arith.cmpi ne, %convert_element_type3A, %cond3A : i32
      scf.if %cond3A_25 {
        %add3A_100 = arith.constant 1 : i32
        %add3A_101 = arith.addi %add3A_21, %add3A_100 : i32
        %dma_start3A_102 = arith.constant 1 : i32
        %dma_start3A_103 = arith.constant 0 : i32
        %dma_start3A_104 = arith.constant 0 : i32
        %dma_start3A_105 = tpu.memref_slice %arg8[%dma_start3A_102, %dma_start3A_103, %dma_start3A_104] : memref<2x128x32xf32, #tpu.memory_space<vmem>> -> memref<1x128x32xf32, #tpu.memory_space<vmem>>
        %dma_start3A_106 = tpu.memref_squeeze %dma_start3A_105 : memref<1x128x32xf32, #tpu.memory_space<vmem>> -> memref<128x32xf32, #tpu.memory_space<vmem>>
        %dma_start3A_107 = arith.constant 0 : i32
        %dma_start3A_108 = tpu.memref_slice %arg6[%add3A_101, %dma_start3A_107] : memref<104x128xi32, #tpu.memory_space<vmem>> -> memref<1x128xi32, #tpu.memory_space<vmem>>
        %dma_start3A_109 = tpu.memref_squeeze %dma_start3A_108 : memref<1x128xi32, #tpu.memory_space<vmem>> -> memref<128xi32, #tpu.memory_space<vmem>>
        %dma_start3A_110 = arith.constant 0 : i32
        %dma_start3A_111 = arith.constant 0 : i32
        %dma_start3A_112 = tpu.memref_slice %arg4[%dma_start3A_110, %dma_start3A_111] : memref<1048576x32xf32, #tpu.memory_space<hbm>> -> memref<1048576x32xf32, #tpu.memory_space<hbm>>
        tpu.enqueue_indirect_dma source(%dma_start3A_112 : memref<1048576x32xf32, #tpu.memory_space<hbm>>) target(%dma_start3A_106 : memref<128x32xf32, #tpu.memory_space<vmem>>) offsets(%dma_start3A_109 : memref<128xi32, #tpu.memory_space<vmem>>) semaphore(%arg10 : memref<!tpu.dma_semaphore, #tpu.memory_space<semaphore_mem>>)
      } else {
      }
      %dma_wait3A = arith.constant 0 : i32
      %dma_wait3A_26 = arith.constant 0 : i32
      %dma_wait3A_27 = arith.constant 0 : i32
      %dma_wait3A_28 = tpu.memref_slice %arg8[%dma_wait3A, %dma_wait3A_26, %dma_wait3A_27] : memref<2x128x32xf32, #tpu.memory_space<vmem>> -> memref<1x128x32xf32, #tpu.memory_space<vmem>>
      %dma_wait3A_29 = tpu.memref_squeeze %dma_wait3A_28 : memref<1x128x32xf32, #tpu.memory_space<vmem>> -> memref<128x32xf32, #tpu.memory_space<vmem>>
      %dma_wait3A_30 = arith.constant 0 : i32
      %dma_wait3A_31 = tpu.memref_slice %arg6[%add3A_21, %dma_wait3A_30] : memref<104x128xi32, #tpu.memory_space<vmem>> -> memref<1x128xi32, #tpu.memory_space<vmem>>
      %dma_wait3A_32 = tpu.memref_squeeze %dma_wait3A_31 : memref<1x128xi32, #tpu.memory_space<vmem>> -> memref<128xi32, #tpu.memory_space<vmem>>
      %dma_wait3A_33 = arith.constant 0 : i32
      %dma_wait3A_34 = arith.constant 0 : i32
      %dma_wait3A_35 = tpu.memref_slice %arg4[%dma_wait3A_33, %dma_wait3A_34] : memref<1048576x32xf32, #tpu.memory_space<hbm>> -> memref<1048576x32xf32, #tpu.memory_space<hbm>>
      tpu.wait_indirect_dma semaphore(%arg9 : memref<!tpu.dma_semaphore, #tpu.memory_space<semaphore_mem>>) src(%dma_wait3A_35 : memref<1048576x32xf32, #tpu.memory_space<hbm>>) dst(%dma_wait3A_29 : memref<128x32xf32, #tpu.memory_space<vmem>>)
      %dma_start3A_36 = arith.constant 0 : i32
      %dma_start3A_37 = arith.constant 0 : i32
      %dma_start3A_38 = arith.constant 0 : i32
      %dma_start3A_39 = tpu.memref_slice %arg8[%dma_start3A_36, %dma_start3A_37, %dma_start3A_38] : memref<2x128x32xf32, #tpu.memory_space<vmem>> -> memref<1x128x32xf32, #tpu.memory_space<vmem>>
      %dma_start3A_40 = tpu.memref_squeeze %dma_start3A_39 : memref<1x128x32xf32, #tpu.memory_space<vmem>> -> memref<128x32xf32, #tpu.memory_space<vmem>>
      %dma_start3A_41 = arith.constant 0 : i32
      %dma_start3A_42 = tpu.memref_slice %arg7[%add3A_21, %dma_start3A_41] : memref<104x128xi32, #tpu.memory_space<vmem>> -> memref<1x128xi32, #tpu.memory_space<vmem>>
      %dma_start3A_43 = tpu.memref_squeeze %dma_start3A_42 : memref<1x128xi32, #tpu.memory_space<vmem>> -> memref<128xi32, #tpu.memory_space<vmem>>
      %dma_start3A_44 = arith.constant 0 : i32
      %dma_start3A_45 = arith.constant 0 : i32
      %dma_start3A_46 = tpu.memref_slice %arg5[%dma_start3A_44, %dma_start3A_45] : memref<458752x32xf32, #tpu.memory_space<hbm>> -> memref<458752x32xf32, #tpu.memory_space<hbm>>
      tpu.enqueue_indirect_dma source(%dma_start3A_40 : memref<128x32xf32, #tpu.memory_space<vmem>>) target(%dma_start3A_46 : memref<458752x32xf32, #tpu.memory_space<hbm>>) offsets(%dma_start3A_43 : memref<128xi32, #tpu.memory_space<vmem>>) semaphore(%arg11 : memref<!tpu.dma_semaphore, #tpu.memory_space<semaphore_mem>>)
      %dma_wait3A_47 = arith.constant 0 : i32
      %dma_wait3A_48 = arith.constant 0 : i32
      %dma_wait3A_49 = arith.constant 0 : i32
      %dma_wait3A_50 = tpu.memref_slice %arg8[%dma_wait3A_47, %dma_wait3A_48, %dma_wait3A_49] : memref<2x128x32xf32, #tpu.memory_space<vmem>> -> memref<1x128x32xf32, #tpu.memory_space<vmem>>
      %dma_wait3A_51 = tpu.memref_squeeze %dma_wait3A_50 : memref<1x128x32xf32, #tpu.memory_space<vmem>> -> memref<128x32xf32, #tpu.memory_space<vmem>>
      %dma_wait3A_52 = arith.constant 0 : i32
      %dma_wait3A_53 = tpu.memref_slice %arg7[%add3A_21, %dma_wait3A_52] : memref<104x128xi32, #tpu.memory_space<vmem>> -> memref<1x128xi32, #tpu.memory_space<vmem>>
      %dma_wait3A_54 = tpu.memref_squeeze %dma_wait3A_53 : memref<1x128xi32, #tpu.memory_space<vmem>> -> memref<128xi32, #tpu.memory_space<vmem>>
      %dma_wait3A_55 = arith.constant 0 : i32
      %dma_wait3A_56 = arith.constant 0 : i32
      %dma_wait3A_57 = tpu.memref_slice %arg5[%dma_wait3A_55, %dma_wait3A_56] : memref<458752x32xf32, #tpu.memory_space<hbm>> -> memref<458752x32xf32, #tpu.memory_space<hbm>>
      tpu.wait_indirect_dma semaphore(%arg11 : memref<!tpu.dma_semaphore, #tpu.memory_space<semaphore_mem>>) src(%dma_wait3A_51 : memref<128x32xf32, #tpu.memory_space<vmem>>) dst(%dma_wait3A_57 : memref<458752x32xf32, #tpu.memory_space<hbm>>)
      %add3A_58 = arith.constant 1 : i32
      %add3A_59 = arith.addi %mul3A_19, %add3A_58 : i32
      %add3A_60 = arith.constant 1 : i32
      %add3A_61 = arith.addi %add3A_59, %add3A_60 : i32
      %lt3A_62 = arith.constant 104 : i32
      %lt3A_63 = arith.cmpi slt, %add3A_61, %lt3A_62 : i32
      %convert_element_type3A_64 = arith.extui %lt3A_63 : i1 to i32
      %cond3A_65 = arith.constant 0 : i32
      %cond3A_66 = arith.cmpi ne, %convert_element_type3A_64, %cond3A_65 : i32
      scf.if %cond3A_66 {
        %add3A_100 = arith.constant 1 : i32
        %add3A_101 = arith.addi %add3A_59, %add3A_100 : i32
        %dma_start3A_102 = arith.constant 0 : i32
        %dma_start3A_103 = arith.constant 0 : i32
        %dma_start3A_104 = arith.constant 0 : i32
        %dma_start3A_105 = tpu.memref_slice %arg8[%dma_start3A_102, %dma_start3A_103, %dma_start3A_104] : memref<2x128x32xf32, #tpu.memory_space<vmem>> -> memref<1x128x32xf32, #tpu.memory_space<vmem>>
        %dma_start3A_106 = tpu.memref_squeeze %dma_start3A_105 : memref<1x128x32xf32, #tpu.memory_space<vmem>> -> memref<128x32xf32, #tpu.memory_space<vmem>>
        %dma_start3A_107 = arith.constant 0 : i32
        %dma_start3A_108 = tpu.memref_slice %arg6[%add3A_101, %dma_start3A_107] : memref<104x128xi32, #tpu.memory_space<vmem>> -> memref<1x128xi32, #tpu.memory_space<vmem>>
        %dma_start3A_109 = tpu.memref_squeeze %dma_start3A_108 : memref<1x128xi32, #tpu.memory_space<vmem>> -> memref<128xi32, #tpu.memory_space<vmem>>
        %dma_start3A_110 = arith.constant 0 : i32
        %dma_start3A_111 = arith.constant 0 : i32
        %dma_start3A_112 = tpu.memref_slice %arg4[%dma_start3A_110, %dma_start3A_111] : memref<1048576x32xf32, #tpu.memory_space<hbm>> -> memref<1048576x32xf32, #tpu.memory_space<hbm>>
        tpu.enqueue_indirect_dma source(%dma_start3A_112 : memref<1048576x32xf32, #tpu.memory_space<hbm>>) target(%dma_start3A_106 : memref<128x32xf32, #tpu.memory_space<vmem>>) offsets(%dma_start3A_109 : memref<128xi32, #tpu.memory_space<vmem>>) semaphore(%arg9 : memref<!tpu.dma_semaphore, #tpu.memory_space<semaphore_mem>>)
      } else {
      }
      %dma_wait3A_67 = arith.constant 1 : i32
      %dma_wait3A_68 = arith.constant 0 : i32
      %dma_wait3A_69 = arith.constant 0 : i32
      %dma_wait3A_70 = tpu.memref_slice %arg8[%dma_wait3A_67, %dma_wait3A_68, %dma_wait3A_69] : memref<2x128x32xf32, #tpu.memory_space<vmem>> -> memref<1x128x32xf32, #tpu.memory_space<vmem>>
      %dma_wait3A_71 = tpu.memref_squeeze %dma_wait3A_70 : memref<1x128x32xf32, #tpu.memory_space<vmem>> -> memref<128x32xf32, #tpu.memory_space<vmem>>
      %dma_wait3A_72 = arith.constant 0 : i32
      %dma_wait3A_73 = tpu.memref_slice %arg6[%add3A_59, %dma_wait3A_72] : memref<104x128xi32, #tpu.memory_space<vmem>> -> memref<1x128xi32, #tpu.memory_space<vmem>>
      %dma_wait3A_74 = tpu.memref_squeeze %dma_wait3A_73 : memref<1x128xi32, #tpu.memory_space<vmem>> -> memref<128xi32, #tpu.memory_space<vmem>>
      %dma_wait3A_75 = arith.constant 0 : i32
      %dma_wait3A_76 = arith.constant 0 : i32
      %dma_wait3A_77 = tpu.memref_slice %arg4[%dma_wait3A_75, %dma_wait3A_76] : memref<1048576x32xf32, #tpu.memory_space<hbm>> -> memref<1048576x32xf32, #tpu.memory_space<hbm>>
      tpu.wait_indirect_dma semaphore(%arg10 : memref<!tpu.dma_semaphore, #tpu.memory_space<semaphore_mem>>) src(%dma_wait3A_77 : memref<1048576x32xf32, #tpu.memory_space<hbm>>) dst(%dma_wait3A_71 : memref<128x32xf32, #tpu.memory_space<vmem>>)
      %dma_start3A_78 = arith.constant 1 : i32
      %dma_start3A_79 = arith.constant 0 : i32
      %dma_start3A_80 = arith.constant 0 : i32
      %dma_start3A_81 = tpu.memref_slice %arg8[%dma_start3A_78, %dma_start3A_79, %dma_start3A_80] : memref<2x128x32xf32, #tpu.memory_space<vmem>> -> memref<1x128x32xf32, #tpu.memory_space<vmem>>
      %dma_start3A_82 = tpu.memref_squeeze %dma_start3A_81 : memref<1x128x32xf32, #tpu.memory_space<vmem>> -> memref<128x32xf32, #tpu.memory_space<vmem>>
      %dma_start3A_83 = arith.constant 0 : i32
      %dma_start3A_84 = tpu.memref_slice %arg7[%add3A_59, %dma_start3A_83] : memref<104x128xi32, #tpu.memory_space<vmem>> -> memref<1x128xi32, #tpu.memory_space<vmem>>
      %dma_start3A_85 = tpu.memref_squeeze %dma_start3A_84 : memref<1x128xi32, #tpu.memory_space<vmem>> -> memref<128xi32, #tpu.memory_space<vmem>>
      %dma_start3A_86 = arith.constant 0 : i32
      %dma_start3A_87 = arith.constant 0 : i32
      %dma_start3A_88 = tpu.memref_slice %arg5[%dma_start3A_86, %dma_start3A_87] : memref<458752x32xf32, #tpu.memory_space<hbm>> -> memref<458752x32xf32, #tpu.memory_space<hbm>>
      tpu.enqueue_indirect_dma source(%dma_start3A_82 : memref<128x32xf32, #tpu.memory_space<vmem>>) target(%dma_start3A_88 : memref<458752x32xf32, #tpu.memory_space<hbm>>) offsets(%dma_start3A_85 : memref<128xi32, #tpu.memory_space<vmem>>) semaphore(%arg11 : memref<!tpu.dma_semaphore, #tpu.memory_space<semaphore_mem>>)
      %dma_wait3A_89 = arith.constant 1 : i32
      %dma_wait3A_90 = arith.constant 0 : i32
      %dma_wait3A_91 = arith.constant 0 : i32
      %dma_wait3A_92 = tpu.memref_slice %arg8[%dma_wait3A_89, %dma_wait3A_90, %dma_wait3A_91] : memref<2x128x32xf32, #tpu.memory_space<vmem>> -> memref<1x128x32xf32, #tpu.memory_space<vmem>>
      %dma_wait3A_93 = tpu.memref_squeeze %dma_wait3A_92 : memref<1x128x32xf32, #tpu.memory_space<vmem>> -> memref<128x32xf32, #tpu.memory_space<vmem>>
      %dma_wait3A_94 = arith.constant 0 : i32
      %dma_wait3A_95 = tpu.memref_slice %arg7[%add3A_59, %dma_wait3A_94] : memref<104x128xi32, #tpu.memory_space<vmem>> -> memref<1x128xi32, #tpu.memory_space<vmem>>
      %dma_wait3A_96 = tpu.memref_squeeze %dma_wait3A_95 : memref<1x128xi32, #tpu.memory_space<vmem>> -> memref<128xi32, #tpu.memory_space<vmem>>
      %dma_wait3A_97 = arith.constant 0 : i32
      %dma_wait3A_98 = arith.constant 0 : i32
      %dma_wait3A_99 = tpu.memref_slice %arg5[%dma_wait3A_97, %dma_wait3A_98] : memref<458752x32xf32, #tpu.memory_space<hbm>> -> memref<458752x32xf32, #tpu.memory_space<hbm>>
      tpu.wait_indirect_dma semaphore(%arg11 : memref<!tpu.dma_semaphore, #tpu.memory_space<semaphore_mem>>) src(%dma_wait3A_93 : memref<128x32xf32, #tpu.memory_space<vmem>>) dst(%dma_wait3A_99 : memref<458752x32xf32, #tpu.memory_space<hbm>>)
    }
    %scan3A_16 = arith.constant 52 : i32
    return
  }
}

module attributes {stable_mosaic.version = 14 : i64} {
  func.func @_xpose_body(%arg0: i32, %arg1: memref<32x16384xf32, #tpu.memory_space<vmem>>, %arg2: memref<32x16384xf32, #tpu.memory_space<vmem>>, %arg3: memref<32x16384xf32, #tpu.memory_space<vmem>>, %arg4: memref<32x16384xf32, #tpu.memory_space<vmem>>, %arg5: memref<16384x128xf32, #tpu.memory_space<vmem>>) attributes {dimension_semantics = [#tpu.dimension_semantics<arbitrary>], iteration_bounds = array<i64: 16>, scalar_prefetch = 0 : i64, scratch_operands = 0 : i64, tpu.core_type = #tpu.core_type<tc>, window_params = [{transform_indices = @transform_0, window_bounds = array<i64: 32, 16384>}, {transform_indices = @transform_1, window_bounds = array<i64: 32, 16384>}, {transform_indices = @transform_2, window_bounds = array<i64: 32, 16384>}, {transform_indices = @transform_3, window_bounds = array<i64: 32, 16384>}, {transform_indices = @transform_4, window_bounds = array<i64: 16384, 128>}]} {
    %get3A = arith.constant 0 : index
    %get3A_0 = arith.constant 0 : index
    %get3A_1 = vector.load %arg1[%get3A, %get3A_0] : memref<32x16384xf32, #tpu.memory_space<vmem>>, vector<32x16384xf32>
    %get3A_2 = arith.constant 0 : index
    %get3A_3 = arith.constant 0 : index
    %get3A_4 = vector.load %arg2[%get3A_2, %get3A_3] : memref<32x16384xf32, #tpu.memory_space<vmem>>, vector<32x16384xf32>
    %get3A_5 = arith.constant 0 : index
    %get3A_6 = arith.constant 0 : index
    %get3A_7 = vector.load %arg3[%get3A_5, %get3A_6] : memref<32x16384xf32, #tpu.memory_space<vmem>>, vector<32x16384xf32>
    %get3A_8 = arith.constant 0 : index
    %get3A_9 = arith.constant 0 : index
    %get3A_10 = vector.load %arg4[%get3A_8, %get3A_9] : memref<32x16384xf32, #tpu.memory_space<vmem>>, vector<32x16384xf32>
    %concatenate3A = tpu.concatenate %get3A_1, %get3A_4, %get3A_7, %get3A_10 in 0 : vector<32x16384xf32>, vector<32x16384xf32>, vector<32x16384xf32>, vector<32x16384xf32> -> vector<128x16384xf32>
    %transpose3A = tpu.transpose %concatenate3A, [1, 0] : vector<128x16384xf32> -> vector<16384x128xf32>
    %swap3A = arith.constant 0 : index
    %swap3A_11 = arith.constant 0 : index
    %swap3A_12 = vector.load %arg5[%swap3A, %swap3A_11] : memref<16384x128xf32, #tpu.memory_space<vmem>>, vector<16384x128xf32>
    tpu.vector_store %arg5[%swap3A, %swap3A_11], %transpose3A {strides = array<i32>} : memref<16384x128xf32, #tpu.memory_space<vmem>>, vector<16384x128xf32>,
    return
  }
  func.func @transform_0(%arg0: i32) -> (i32, i32) {
    %add3A = arith.constant 0 : i32
    %add3A_0 = arith.addi %add3A, %arg0 : i32
    %min3A = arith.constant 61 : i32
    %min3A_1 = arith.minsi %add3A_0, %min3A : i32
    %c0_i32 = arith.constant 0 : i32
    %c0_i32_2 = arith.constant 0 : i32
    return %c0_i32, %min3A_1 : i32, i32
  }
  func.func @transform_1(%arg0: i32) -> (i32, i32) {
    %add3A = arith.constant 16 : i32
    %add3A_0 = arith.addi %add3A, %arg0 : i32
    %min3A = arith.constant 61 : i32
    %min3A_1 = arith.minsi %add3A_0, %min3A : i32
    %c0_i32 = arith.constant 0 : i32
    %c0_i32_2 = arith.constant 0 : i32
    return %c0_i32, %min3A_1 : i32, i32
  }
  func.func @transform_2(%arg0: i32) -> (i32, i32) {
    %add3A = arith.constant 32 : i32
    %add3A_0 = arith.addi %add3A, %arg0 : i32
    %min3A = arith.constant 61 : i32
    %min3A_1 = arith.minsi %add3A_0, %min3A : i32
    %c0_i32 = arith.constant 0 : i32
    %c0_i32_2 = arith.constant 0 : i32
    return %c0_i32, %min3A_1 : i32, i32
  }
  func.func @transform_3(%arg0: i32) -> (i32, i32) {
    %add3A = arith.constant 48 : i32
    %add3A_0 = arith.addi %add3A, %arg0 : i32
    %min3A = arith.constant 61 : i32
    %min3A_1 = arith.minsi %add3A_0, %min3A : i32
    %c0_i32 = arith.constant 0 : i32
    %c0_i32_2 = arith.constant 0 : i32
    return %c0_i32, %min3A_1 : i32, i32
  }
  func.func @transform_4(%arg0: i32) -> (i32, i32) {
    %c0_i32 = arith.constant 0 : i32
    %c0_i32_0 = arith.constant 0 : i32
    return %arg0, %c0_i32 : i32, i32
  }
}

module attributes {stable_mosaic.version = 14 : i64} {
  func.func @_mlp_body(%arg0: i32, %arg1: memref<256x56x128xf32, #tpu.memory_space<vmem>>, %arg2: memref<896x256xf32, #tpu.memory_space<vmem>>, %arg3: memref<1x256xf32, #tpu.memory_space<vmem>>, %arg4: memref<256x32xf32, #tpu.memory_space<vmem>>, %arg5: memref<32x1xf32, #tpu.memory_space<vmem>>, %arg6: memref<32x2048xf32, #tpu.memory_space<vmem>>) attributes {dimension_semantics = [#tpu.dimension_semantics<arbitrary>], iteration_bounds = array<i64: 8>, scalar_prefetch = 0 : i64, scratch_operands = 0 : i64, tpu.core_type = #tpu.core_type<tc>, window_params = [{transform_indices = @transform_0, window_bounds = array<i64: 256, 56, 128>}, {pipeline_mode = #tpu.pipeline_mode<synchronous>, transform_indices = @transform_1, window_bounds = array<i64: 896, 256>}, {pipeline_mode = #tpu.pipeline_mode<synchronous>, transform_indices = @transform_2, window_bounds = array<i64: 1, 256>}, {pipeline_mode = #tpu.pipeline_mode<synchronous>, transform_indices = @transform_3, window_bounds = array<i64: 256, 32>}, {pipeline_mode = #tpu.pipeline_mode<synchronous>, transform_indices = @transform_4, window_bounds = array<i64: 32, 1>}, {transform_indices = @transform_5, window_bounds = array<i64: 32, 2048>}]} {
    %get3A = arith.constant 0 : index
    %get3A_0 = arith.constant 0 : index
    %get3A_1 = arith.constant 0 : index
    %get3A_2 = vector.load %arg1[%get3A, %get3A_0, %get3A_1] : memref<256x56x128xf32, #tpu.memory_space<vmem>>, vector<256x56x128xf32>
    %broadcast_in_dim3A = arith.constant 0.000000e+00 : f32
    %broadcast_in_dim3A_3 = vector.broadcast %broadcast_in_dim3A : f32 to vector<2048x256xf32>
    %slice3A = vector.extract_strided_slice %get3A_2 {offsets = [0, 0, 0], sizes = [256, 8, 128], strides = [1, 1, 1]} : vector<256x56x128xf32> to vector<256x8x128xf32>
    %reshape3A = vector.shape_cast %slice3A : vector<256x8x128xf32> to vector<2048x128xf32>
    %get3A_4 = arith.constant 0 : index
    %get3A_5 = arith.constant 0 : index
    %get3A_6 = vector.load %arg2[%get3A_4, %get3A_5] : memref<896x256xf32, #tpu.memory_space<vmem>>, vector<128x256xf32>
    %dot_general3A = arith.constant dense<0.000000e+00> : vector<2048x256xf32>
    %dot_general3A_7 = tpu.matmul %reshape3A, %get3A_6, %dot_general3A {dimension_numbers = #tpu.dot_dimension_numbers<[1], [0], [0], [1], [0, 0, 1, 1], [], []>, transpose_lhs_hint = false} : vector<2048x128xf32>, vector<128x256xf32>, vector<2048x256xf32> -> vector<2048x256xf32>
    %add3A = arith.addf %broadcast_in_dim3A_3, %dot_general3A_7 : vector<2048x256xf32>
    %slice3A_8 = vector.extract_strided_slice %get3A_2 {offsets = [0, 8, 0], sizes = [256, 8, 128], strides = [1, 1, 1]} : vector<256x56x128xf32> to vector<256x8x128xf32>
    %reshape3A_9 = vector.shape_cast %slice3A_8 : vector<256x8x128xf32> to vector<2048x128xf32>
    %get3A_10 = arith.constant 128 : index
    %get3A_11 = arith.constant 0 : index
    %get3A_12 = vector.load %arg2[%get3A_10, %get3A_11] : memref<896x256xf32, #tpu.memory_space<vmem>>, vector<128x256xf32>
    %dot_general3A_13 = arith.constant dense<0.000000e+00> : vector<2048x256xf32>
    %dot_general3A_14 = tpu.matmul %reshape3A_9, %get3A_12, %dot_general3A_13 {dimension_numbers = #tpu.dot_dimension_numbers<[1], [0], [0], [1], [0, 0, 1, 1], [], []>, transpose_lhs_hint = false} : vector<2048x128xf32>, vector<128x256xf32>, vector<2048x256xf32> -> vector<2048x256xf32>
    %add3A_15 = arith.addf %add3A, %dot_general3A_14 : vector<2048x256xf32>
    %slice3A_16 = vector.extract_strided_slice %get3A_2 {offsets = [0, 16, 0], sizes = [256, 8, 128], strides = [1, 1, 1]} : vector<256x56x128xf32> to vector<256x8x128xf32>
    %reshape3A_17 = vector.shape_cast %slice3A_16 : vector<256x8x128xf32> to vector<2048x128xf32>
    %get3A_18 = arith.constant 256 : index
    %get3A_19 = arith.constant 0 : index
    %get3A_20 = vector.load %arg2[%get3A_18, %get3A_19] : memref<896x256xf32, #tpu.memory_space<vmem>>, vector<128x256xf32>
    %dot_general3A_21 = arith.constant dense<0.000000e+00> : vector<2048x256xf32>
    %dot_general3A_22 = tpu.matmul %reshape3A_17, %get3A_20, %dot_general3A_21 {dimension_numbers = #tpu.dot_dimension_numbers<[1], [0], [0], [1], [0, 0, 1, 1], [], []>, transpose_lhs_hint = false} : vector<2048x128xf32>, vector<128x256xf32>, vector<2048x256xf32> -> vector<2048x256xf32>
    %add3A_23 = arith.addf %add3A_15, %dot_general3A_22 : vector<2048x256xf32>
    %slice3A_24 = vector.extract_strided_slice %get3A_2 {offsets = [0, 24, 0], sizes = [256, 8, 128], strides = [1, 1, 1]} : vector<256x56x128xf32> to vector<256x8x128xf32>
    %reshape3A_25 = vector.shape_cast %slice3A_24 : vector<256x8x128xf32> to vector<2048x128xf32>
    %get3A_26 = arith.constant 384 : index
    %get3A_27 = arith.constant 0 : index
    %get3A_28 = vector.load %arg2[%get3A_26, %get3A_27] : memref<896x256xf32, #tpu.memory_space<vmem>>, vector<128x256xf32>
    %dot_general3A_29 = arith.constant dense<0.000000e+00> : vector<2048x256xf32>
    %dot_general3A_30 = tpu.matmul %reshape3A_25, %get3A_28, %dot_general3A_29 {dimension_numbers = #tpu.dot_dimension_numbers<[1], [0], [0], [1], [0, 0, 1, 1], [], []>, transpose_lhs_hint = false} : vector<2048x128xf32>, vector<128x256xf32>, vector<2048x256xf32> -> vector<2048x256xf32>
    %add3A_31 = arith.addf %add3A_23, %dot_general3A_30 : vector<2048x256xf32>
    %slice3A_32 = vector.extract_strided_slice %get3A_2 {offsets = [0, 32, 0], sizes = [256, 8, 128], strides = [1, 1, 1]} : vector<256x56x128xf32> to vector<256x8x128xf32>
    %reshape3A_33 = vector.shape_cast %slice3A_32 : vector<256x8x128xf32> to vector<2048x128xf32>
    %get3A_34 = arith.constant 512 : index
    %get3A_35 = arith.constant 0 : index
    %get3A_36 = vector.load %arg2[%get3A_34, %get3A_35] : memref<896x256xf32, #tpu.memory_space<vmem>>, vector<128x256xf32>
    %dot_general3A_37 = arith.constant dense<0.000000e+00> : vector<2048x256xf32>
    %dot_general3A_38 = tpu.matmul %reshape3A_33, %get3A_36, %dot_general3A_37 {dimension_numbers = #tpu.dot_dimension_numbers<[1], [0], [0], [1], [0, 0, 1, 1], [], []>, transpose_lhs_hint = false} : vector<2048x128xf32>, vector<128x256xf32>, vector<2048x256xf32> -> vector<2048x256xf32>
    %add3A_39 = arith.addf %add3A_31, %dot_general3A_38 : vector<2048x256xf32>
    %slice3A_40 = vector.extract_strided_slice %get3A_2 {offsets = [0, 40, 0], sizes = [256, 8, 128], strides = [1, 1, 1]} : vector<256x56x128xf32> to vector<256x8x128xf32>
    %reshape3A_41 = vector.shape_cast %slice3A_40 : vector<256x8x128xf32> to vector<2048x128xf32>
    %get3A_42 = arith.constant 640 : index
    %get3A_43 = arith.constant 0 : index
    %get3A_44 = vector.load %arg2[%get3A_42, %get3A_43] : memref<896x256xf32, #tpu.memory_space<vmem>>, vector<128x256xf32>
    %dot_general3A_45 = arith.constant dense<0.000000e+00> : vector<2048x256xf32>
    %dot_general3A_46 = tpu.matmul %reshape3A_41, %get3A_44, %dot_general3A_45 {dimension_numbers = #tpu.dot_dimension_numbers<[1], [0], [0], [1], [0, 0, 1, 1], [], []>, transpose_lhs_hint = false} : vector<2048x128xf32>, vector<128x256xf32>, vector<2048x256xf32> -> vector<2048x256xf32>
    %add3A_47 = arith.addf %add3A_39, %dot_general3A_46 : vector<2048x256xf32>
    %slice3A_48 = vector.extract_strided_slice %get3A_2 {offsets = [0, 48, 0], sizes = [256, 8, 128], strides = [1, 1, 1]} : vector<256x56x128xf32> to vector<256x8x128xf32>
    %reshape3A_49 = vector.shape_cast %slice3A_48 : vector<256x8x128xf32> to vector<2048x128xf32>
    %iota3A = tpu.iota {dimensions = array<i32: 1>} : vector<2048x128xi32>
    %lt3A = arith.constant 64 : i32
    %lt3A_50 = vector.broadcast %lt3A : i32 to vector<2048x128xi32>
    %lt3A_51 = arith.cmpi slt, %iota3A, %lt3A_50 : vector<2048x128xi32>
    %jit3A = arith.constant 0.000000e+00 : f32
    %broadcast_in_dim3A_52 = vector.broadcast %jit3A : f32 to vector<2048x128xf32>
    %select_n3A = arith.select %lt3A_51, %reshape3A_49, %broadcast_in_dim3A_52 : vector<2048x128xi1>, vector<2048x128xf32>
    %get3A_53 = arith.constant 768 : index
    %get3A_54 = arith.constant 0 : index
    %get3A_55 = vector.load %arg2[%get3A_53, %get3A_54] : memref<896x256xf32, #tpu.memory_space<vmem>>, vector<128x256xf32>
    %dot_general3A_56 = arith.constant dense<0.000000e+00> : vector<2048x256xf32>
    %dot_general3A_57 = tpu.matmul %select_n3A, %get3A_55, %dot_general3A_56 {dimension_numbers = #tpu.dot_dimension_numbers<[1], [0], [0], [1], [0, 0, 1, 1], [], []>, transpose_lhs_hint = false} : vector<2048x128xf32>, vector<128x256xf32>, vector<2048x256xf32> -> vector<2048x256xf32>
    %add3A_58 = arith.addf %add3A_47, %dot_general3A_57 : vector<2048x256xf32>
    %get3A_59 = arith.constant 0 : index
    %get3A_60 = arith.constant 0 : index
    %get3A_61 = vector.load %arg3[%get3A_59, %get3A_60] : memref<1x256xf32, #tpu.memory_space<vmem>>, vector<1x256xf32>
    %add3A_62 = vector.broadcast %get3A_61 : vector<1x256xf32> to vector<2048x256xf32>
    %add3A_63 = arith.addf %add3A_58, %add3A_62 : vector<2048x256xf32>
    %max3A = arith.constant 0.000000e+00 : f32
    %max3A_64 = vector.broadcast %max3A : f32 to vector<2048x256xf32>
    %max3A_65 = arith.maximumf %add3A_63, %max3A_64 : vector<2048x256xf32>
    %get3A_66 = arith.constant 0 : index
    %get3A_67 = arith.constant 0 : index
    %get3A_68 = vector.load %arg4[%get3A_66, %get3A_67] : memref<256x32xf32, #tpu.memory_space<vmem>>, vector<256x32xf32>
    %dot_general3A_69 = arith.constant dense<0.000000e+00> : vector<32x2048xf32>
    %dot_general3A_70 = tpu.matmul %get3A_68, %max3A_65, %dot_general3A_69 {dimension_numbers = #tpu.dot_dimension_numbers<[0], [1], [1], [0], [0, 1, 1, 0], [], []>, transpose_lhs_hint = false} : vector<256x32xf32>, vector<2048x256xf32>, vector<32x2048xf32> -> vector<32x2048xf32>
    %get3A_71 = arith.constant 0 : index
    %get3A_72 = arith.constant 0 : index
    %get3A_73 = vector.load %arg5[%get3A_71, %get3A_72] : memref<32x1xf32, #tpu.memory_space<vmem>>, vector<32x1xf32>
    %add3A_74 = vector.broadcast %get3A_73 : vector<32x1xf32> to vector<32x2048xf32>
    %add3A_75 = arith.addf %dot_general3A_70, %add3A_74 : vector<32x2048xf32>
    %swap3A = arith.constant 0 : index
    %swap3A_76 = arith.constant 0 : index
    %swap3A_77 = vector.load %arg6[%swap3A, %swap3A_76] : memref<32x2048xf32, #tpu.memory_space<vmem>>, vector<32x2048xf32>
    tpu.vector_store %arg6[%swap3A, %swap3A_76], %add3A_75 {strides = array<i32>} : memref<32x2048xf32, #tpu.memory_space<vmem>>, vector<32x2048xf32>,
    return
  }
  func.func @transform_0(%arg0: i32) -> (i32, i32, i32) {
    %c0_i32 = arith.constant 0 : i32
    %c0_i32_0 = arith.constant 0 : i32
    %c0_i32_1 = arith.constant 0 : i32
    return %arg0, %c0_i32, %c0_i32_0 : i32, i32, i32
  }
  func.func @transform_1(%arg0: i32) -> (i32, i32) {
    %c0_i32 = arith.constant 0 : i32
    %c0_i32_0 = arith.constant 0 : i32
    %c0_i32_1 = arith.constant 0 : i32
    return %c0_i32, %c0_i32_0 : i32, i32
  }
  func.func @transform_2(%arg0: i32) -> (i32, i32) {
    %c0_i32 = arith.constant 0 : i32
    %c0_i32_0 = arith.constant 0 : i32
    %c0_i32_1 = arith.constant 0 : i32
    return %c0_i32, %c0_i32_0 : i32, i32
  }
  func.func @transform_3(%arg0: i32) -> (i32, i32) {
    %c0_i32 = arith.constant 0 : i32
    %c0_i32_0 = arith.constant 0 : i32
    %c0_i32_1 = arith.constant 0 : i32
    return %c0_i32, %c0_i32_0 : i32, i32
  }
  func.func @transform_4(%arg0: i32) -> (i32, i32) {
    %c0_i32 = arith.constant 0 : i32
    %c0_i32_0 = arith.constant 0 : i32
    %c0_i32_1 = arith.constant 0 : i32
    return %c0_i32, %c0_i32_0 : i32, i32
  }
  func.func @transform_5(%arg0: i32) -> (i32, i32) {
    %c0_i32 = arith.constant 0 : i32
    %c0_i32_0 = arith.constant 0 : i32
    return %c0_i32, %arg0 : i32, i32
  }
}

</mosaic_0001>

<sc_bundles>
// kernel: kernel.5.cloned.1.call-start
scs
__scs_entry_jumppad:
0x0: {  	(pc) =	sbr.rel $0x88, $3  }
0x1: {  	(tag) =	ssettag $0x0;
	lr =	simm.s32 $0x1  }
0x2: {  	[smem:$0x3F9B] =	sst lr;
	_ =	strace $0xD0000000  }
0x3: {  	_ = 	snop  }
0x4: {  	_ = 	snop  }
0x5: {  	_ = 	snop  }
0x6: {  	_ = 	snop  }
0x7: {  	_ = 	snop  }
__scs_overlays_trampoline_lowered:
0x8: {  	[smem:$0x3FAA] =	sst s0  }
0x9: {  	[smem:$0x3FAB] =	sst s1  }
0xa: {  	[smem:$0x3FAC] =	sst s2  }
0xb: {  	[smem:$0x3FAD] =	sst s3  }
0xc: {  	[smem:$0x3FAE] =	sst s4  }
0xd: {  	[smem:$0x3FAF] =	sst s5  }
0xe: {  	[smem:$0x3FB0] =	sst s6  }
0xf: {  	[smem:$0x3FB1] =	sst s7  }
0x10: {  	[smem:$0x3FB2] =	sst s8  }
0x11: {  	[smem:$0x3FB3] =	sst s9;
	s0 =	simm.s32 @!p0 $0x0  }
0x12: {  	s1 =	sld [smem:$0x3F99];
	s0 =	simm.s32 @p0 $0x1  }
0x13: {  	[smem:$0x3FB4] =	sst s0;
	s0 =	simm.s32 @!p1 $0x0  }
0x14: {  	s2 =	sld [smem:$0x3F98];
	s0 =	simm.s32 @p1 $0x1  }
0x15: {  	[smem:$0x3FB5] =	sst s0;
	s0 =	simm.s32 @!p2 $0x0  }
0x16: {  	s3 =	sld [smem:$0x3FDB];
	s0 =	simm.s32 @p2 $0x1  }
0x17: {  	s4 =	simm.s32 $0x1BF5;
	[smem:$0x3FB7] =	sst s0  }
0x18: {  	s0 =	sld [smem:$0x3F9A];
	_ =	swait.ge [sflag:s4], $0x0  }
0x19: {  	s7 =	sld [smem:$0x3F9B]  }
0x1a: {  	s8 =	sadd.s32 $0xFFFFE003, lr  }
0x1b: {  	s9 =	sadd.s32 $0xFFFFFEF7, lr;
	s5 =	simm.s32 $0xFFFFFFFF;
	p2 =	slt.u32 s8, $0xFFFFF086  }
0x1c: {  	p1 =	slt.u32 s9, $0xF7A;
	s5 =	simm.s32 @!p2 $0x0  }
0x1d: {  	s5 =	simm.s32 @p1 $0x1;
	p0 =	seq.s32 s7, s2  }
0x1e: {  	s7 =	smul.u32 @!p0 $0xF7A, s2;
	p2 =	seq.s32 @!p0 s5, $0x0  }
0x1f: {  	s9 =	smul.u32 $0xF7A, s1;
	s8 =	simm.s32 @!p0 $0x1BF5;
	p2 =	por !p2, p0  }
0x20: {  	[sflag:s8] =	ssyncset.s32 @!p0 $0xFFFFF086;
	s6 =	sadd.s32 @!p0 s3, s7;
	s7 =	simm.s32 @!p0 $0x108  }
0x21: {  	s3 =	sadd.s32 s3, s9;
	s6 =	sadd.s32 @!p0 $0x88, s6;
	s7 =	simm.s32 @p2 $0x1082  }
0x22: {  	[simem:s7], [sflag:s8] =	dma.local @!p0 [hbm:s6], $0xF7A  }
0x23: {  	s9 =	sor.u32 $0xD0000000, s2;
	s6 =	simm.s32 $0x108;
	_ =	swait.ge @!p0 [sflag:s8], $0x0  }
0x24: {  	s3 =	sadd.s32 $0x88, s3;
	s6 =	simm.s32 @!p1 $0x1082;
	[sflag:s4] =	ssyncset.s32 $0xFFFFF086  }
0x25: {  	[simem:s6], [sflag:s4] =	dma.local [hbm:s3], $0xF7A  }
0x26: {  	[smem:$0x3F9B] =	sst s1;
	(tag) =	ssettag s2;
	_ =	strace s9  }
0x27: {  	s1 =	sld [smem:$0x3FAB]  }
0x28: {  	s2 =	sld [smem:$0x3FAC]  }
0x29: {  	s4 =	sld [smem:$0x3FAE]  }
0x2a: {  	p0 =	seq.s32 s5, $0x0;
	s5 =	sld [smem:$0x3FAF]  }
0x2b: {  	s6 =	sld [smem:$0x3FB0]  }
0x2c: {  	s7 =	sld [smem:$0x3FB1]  }
0x2d: {  	s3 =	simm.s32 $0x108;
	s8 =	sld [smem:$0x3FB2]  }
0x2e: {  	s3 =	simm.s32 @!p0 $0x1082;
	s9 =	sld [smem:$0x3FB3]  }
0x2f: {  	lr =	sadd.s32 s0, s3;
	s0 =	sld [smem:$0x3FAA]  }
0x30: {  	s3 =	sld [smem:$0x3FAD]  }
0x31: {  	[smem:$0x3FB6] =	sst s10  }
0x32: {  	s10 =	sld [smem:$0x3FB4];
	_ =	sdelay $0x3  }
0x33: {  	p0 =	seq.s32 s10, $0x1;
	s10 =	sld [smem:$0x3FB6];
	_ =	sdelay $0x3  }
0x34: {  	[smem:$0x3FB6] =	sst s10  }
0x35: {  	s10 =	sld [smem:$0x3FB5];
	_ =	sdelay $0x3  }
0x36: {  	p1 =	seq.s32 s10, $0x1;
	s10 =	sld [smem:$0x3FB6];
	_ =	sdelay $0x3  }
0x37: {  	[smem:$0x3FB6] =	sst s10  }
0x38: {  	s10 =	sld [smem:$0x3FB7]  }
0x39: {  	_ = 	snop;
	(pc) =	sbr.ind lr, $3  }
0x3a: {  	_ = 	snop  }
0x3b: {  	_ = 	snop  }
0x3c: {  	p2 =	seq.s32 s10, $0x1;
	s10 =	sld [smem:$0x3FB6]  }
0x3d: {  	_ =	shalt  }
0x3e: {  	_ =	shalt  }
0x3f: {  	_ =	shalt  }
0x40: {  	_ =	shalt  }
0x41: {  	_ =	shalt  }
0x42: {  	_ =	shalt  }
0x43: {  	_ =	shalt  }
0x44: {  	_ =	shalt  }
0x45: {  	_ =	shalt  }
0x46: {  	_ =	shalt  }
0x47: {  	_ =	shalt  }
0x48: {  	_ =	shalt  }
0x49: {  	_ =	shalt  }
0x4a: {  	_ =	shalt  }
0x4b: {  	_ =	shalt  }
0x4c: {  	_ =	shalt  }
0x4d: {  	_ =	shalt  }
0x4e: {  	_ =	shalt  }
0x4f: {  	_ =	shalt  }
0x50: {  	_ =	shalt  }
0x51: {  	_ =	shalt  }
0x52: {  	_ =	shalt  }
0x53: {  	_ =	shalt  }
0x54: {  	_ =	shalt  }
0x55: {  	_ =	shalt  }
0x56: {  	_ =	shalt  }
0x57: {  	_ =	shalt  }
0x58: {  	_ =	shalt  }
0x59: {  	_ =	shalt  }
0x5a: {  	_ =	shalt  }
0x5b: {  	_ =	shalt  }
0x5c: {  	_ =	shalt  }
0x5d: {  	_ =	shalt  }
0x5e: {  	_ =	shalt  }
0x5f: {  	_ =	shalt  }
0x60: {  	_ =	shalt  }
0x61: {  	_ =	shalt  }
0x62: {  	_ =	shalt  }
0x63: {  	_ =	shalt  }
0x64: {  	_ =	shalt  }
0x65: {  	_ =	shalt  }
0x66: {  	_ =	shalt  }
0x67: {  	_ =	shalt  }
0x68: {  	_ =	shalt  }
0x69: {  	_ =	shalt  }
0x6a: {  	_ =	shalt  }
0x6b: {  	_ =	shalt  }
0x6c: {  	_ =	shalt  }
0x6d: {  	_ =	shalt  }
0x6e: {  	_ =	shalt  }
0x6f: {  	_ =	shalt  }
0x70: {  	_ =	shalt  }
0x71: {  	_ =	shalt  }
0x72: {  	_ =	shalt  }
0x73: {  	_ =	shalt  }
0x74: {  	_ =	shalt  }
0x75: {  	_ =	shalt  }
0x76: {  	_ =	shalt  }
0x77: {  	_ =	shalt  }
0x78: {  	_ =	shalt  }
0x79: {  	_ =	shalt  }
0x7a: {  	_ =	shalt  }
0x7b: {  	_ =	shalt  }
0x7c: {  	_ =	shalt  }
0x7d: {  	_ =	shalt  }
0x7e: {  	_ =	shalt  }
0x7f: {  	_ =	shalt  }
0x80: {  	_ =	shalt  }
0x81: {  	_ =	shalt  }
0x82: {  	_ =	shalt  }
0x83: {  	_ =	shalt  }
0x84: {  	_ =	shalt  }
0x85: {  	_ =	shalt  }
0x86: {  	_ =	shalt  }
0x87: {  	_ =	shalt  }
.Lfunc_end0:
.L_simem_size_0:
called_computation_lowered:
.L_overlay_start_0:
0x88: {  	s2 =	sld [smem:$0x3FD9]  }
0x89: {  	s3 =	sld [smem:$0x3FFE];
	_ =	sdelay $0x1  }
0x8a: {  	s1 =	srdreg.scid  }
0x8b: {  	s0 =	sand.u32 $0x1, s1  }
0x8c: {  	s17 =	sshll.u32 s0, $0xA;
	s2 =	sadd.s32 s3, s2  }
0x8d: {  	s2 =	sadd.s32 s2, s17  }
0x8e: {  	[smem:$0x3FC2] =	sst s2  }
0x8f: {  	_ = 	snop  }
0x90: {  	s2 =	sld [smem:$0x3FD0];
	(tm) =	ssettm $0x1  }
0x91: {  	s18 =	sld [smem:$0x3FFB];
	_ =	sdelay $0x3  }
0x92: {  	_ =	strace s18  }
0x93: {  	s3 =	sld [smem:$0x3FFC];
	_ =	sdelay $0x3  }
0x94: {  	_ =	strace s3  }
0x95: {  	s3 =	sld [smem:$0x3FFD];
	_ =	sdelay $0x3  }
0x96: {  	_ =	strace s3  }
0x97: {  	_ =	strace $0x8FFFFFFF  }
0x98: {  	s19 =	sld [smem:$0x3FDB];
	_ =	sdelay $0x1  }
0x99: {  	s4 =	simm.s32 $_scs_section_size  }
0x9a: {  	s5 =	simm.s32 $_size__tile_overlayer_lowered;
	s6 =	simm.s32 $_tile_overlayer_lowered  }
0x9b: {  	s22 =	simm.s32 $0x1BFF;
	s21 =	sshll.u32 s6, $0x1;
	s3 =	sadd.s32 s4, s19  }
0x9c: {  	s7 =	simm.s32 $0x0;
	s20 =	sshll.u32 s5, $0x1;
	s5 =	sadd.s32 s21, s3  }
0x9d: {  	[timem:s7], [sflag:s22] =	dma.local [hbm:s5], s20  }
0x9e: {  	_ =	swait.ge [sflag:s22], s20  }
0x9f: {  	s4 =	ssub.s32 $0x0, s20;
	[sflag:s22] =	ssyncset.done $0x0  }
0xa0: {  	[sflag:s22] =	ssyncadd.s32 s4;
	_ =	sdelay $0x1  }
0xa1: {  	s23 =	simm.s32 $0x1B8B  }
0xa2: {  	_ =	swait.ge [sflag:s23], $0x1  }
0xa3: {  	[sflag:s23] =	ssyncset.done $0x0  }
0xa4: {  	s25 =	simm.s32 $0x1B8E;
	s24 =	sld [smem:$0x3FFE];
	[sflag:s23] =	ssyncadd.s32 $0xFFFFFFFF  }
0xa5: {  	s26 =	simm.s32 $execute0_lowered;
	[smem:$0x3FD2] =	sst s25  }
0xa6: {  	s5 =	sshll.u32 s26, $0x1;
	_ =	strace $0x80000046;
	[dreg:$0x1] =	wrdreg $0xFFFFFFFF  }
0xa7: {  	s28 =	simm.s32 $_size_execute0_lowered;
	s3 =	sadd.s32 s3, s5;
	[dreg:$0x0] =	wrdreg $0x0  }
0xa8: {  	s5 =	sshll.u32 s28, $0x1;
	[dreg:$0x2] =	wrdreg s3  }
0xa9: {  	[dreg:$0x3] =	wrdreg s5  }
0xaa: {  	[dreg:$0x4] =	wrdreg $0xC0  }
0xab: {  	_ =	task [dreg:s7], $0x5FFFF  }
0xac: {  	[dreg:$0x1] =	wrdreg $0xFFFFFFFF  }
0xad: {  	[dreg:$0x0] =	wrdreg $0x60  }
0xae: {  	[dreg:$0x2] =	wrdreg s2  }
0xaf: {  	[dreg:$0x3] =	wrdreg s24  }
0xb0: {  	[dreg:$0x4] =	wrdreg $0x9  }
0xb1: {  	_ =	task.clear_ibuf [dreg:s7], $0x5FFFF;
	_ =	strace $0x90000046  }
0xb2: {  	s29 =	simm.s32 $0x9;
	_ =	strace $0x80000048  }
0xb3: {  	_ =	swait.ge [sflag:s29], $0x1  }
0xb4: {  	[sflag:s29] =	ssyncadd.s32 $0xFFFFFFFF  }
0xb5: {  	_ =	strace $0x90000048  }
0xb6: {  	_ =	sfence  }
0xb7: {  	s30 =	sld [smem:$0x0];
	_ =	sdelay $0x2  }
0xb8: {  	s31 =	sshll.u32 s1, $0xD;
	s1 =	sshrl.u32 s1, $0x2  }
0xb9: {  	s3 =	sand.u32 $0x4000, s31;
	s1 =	sadd.s32 s1, s30  }
0xba: {  	s0 =	sor.u32 s3, s0;
	s1 =	sshll.u32 s1, $0x11  }
0xbb: {  	s0 =	sor.u32 s1, s0  }
0xbc: {  	s0 =	sadd.s32 $0x8F2B, s0  }
0xbd: {  	[sflag:s0] =	ssyncadd.remote.s32 $0x1  }
0xbe: {  	_ =	sfence.sel $0xFFFF  }
0xbf: {  	[dreg:$0x0] =	wrdreg $0xFFFFFFFF;
	(pc) =	sbr.abs _section_cstart, $3  }
0xc0: {  	[dreg:$0x1] =	wrdreg $0xFFFFFFFF  }
0xc1: {  	_ =	task.clear_ibuf [dreg:s7], $0x2FFFF;
	_ =	strace $0x9FFFFFFF  }
0xc2: {  	(tm) =	ssettm $0x7FFFFFFF  }
0xc3: {  	_ =	shalt  }
tec
execute0_lowered:
.L_overlay_start_1:
0x0: {  	(tag) =	ssettag $0x1  }
0x1: {  	s1 =	srdreg.scid  }
0x2: {  	s0 =	stileid.u32;
	s5 =	rddreg [dreg:$0x0]  }
0x3: {  	s4 =	rddreg [dreg:$0x1];
	s2 =	simm.s32 $0x0;
	s10 =	simm.s32 $0x80  }
0x4: {  	s11 =	simm.s32 $0x6800;
	s12 =	simm.s32 $0x7800;
	s13 =	simm.s32 $0x1  }
0x5: {  	s14 =	simm.s32 $0x3;
	s15 =	simm.s32 $0x2;
	s16 =	simm.s32 $0x3380  }
0x6: {  	s17 =	simm.s32 $0x6700;
	s18 =	simm.s32 $0x6780;
	s19 =	simm.s32 $0x0  }
0x7: {  	s3 =	sand.u32 $0x1, s1;
	s31 =	sshll.u32 s0, $0x1;
	s1 =	rddreg [dreg:$0x2]  }
0x8: {  	[smem:$0x7FF] =	sst s2;
	s6 =	sor.u32 s3, s31;
	s7 =	ssub.s32 $0x2, s3  }
0x9: {  	_ =	strace $0x80000047;
	s6 =	smul.u32 $0x680, s6;
	s9 =	sshrl.u32 s7, $0x1  }
0xa: {  	s3 =	sadd.s32 $0x1000, s4;
	s7 =	ssub.s32 s7, s9;
	s9 =	simm.s32 $0x3400  }
0xb: {  	s8 =	sadd.s32 s6, s4;
	s4 =	sadd.s32 $0x40E000, s4;
	s5 =	sadd.s32 s5, s6  }
0xc: {  	s7 =	smax.u32 s7, $0x1;
	s6 =	sadd.s32 $0x401000, s8;
	s8 =	simm.s32 $0x4  }
.LBB2_1:
0xd: {  	[tilespmem:s2], [sflag:$0x4] =	stream.linear.gather [hbm4b:s5+s2], $0x3400, $0x38;
	[tilespmem:$0x8800] =	vst v63  }
0xe: {  	_ =	swait.ge [sflag:s8], $0x3400  }
0xf: {  	[sflag:s8] =	ssyncset.done $0x0  }
0x10: {  	[sflag:s8] =	ssyncadd.s32 $0xFFFFCC00  }
0x11: {  	[tilespmem:s9], [sflag:$0x4] =	stream.linear.gather [hbm4b:s6+s2], $0x3400, $0x38;
	[tilespmem:$0x8800] =	vst v63  }
0x12: {  	_ =	swait.ge [sflag:s8], $0x3400  }
0x13: {  	[sflag:s8] =	ssyncset.done $0x0  }
0x14: {  	[sflag:s8] =	ssyncadd.s32 $0xFFFFCC00  }
0x15: {  	[tilespmem:s11], [sflag:$0x1] =	stream.indirect.gather [hbm4b:s3+s10], $0x20, s2, s10, $0xb8;
	[tilespmem:$0x8800] =	vst v63  }
0x16: {  	s20 =	simm.s32 $0x80  }
0x17: {  	[tilespmem:s12], [sflag:$0x2] =	stream.indirect.gather [hbm4b:s3+s10], $0x20, s20, s10, $0xb8;
	[tilespmem:$0x8800] =	vst v63  }
0x18: {  	_ =	swait.ge [sflag:s13], $0x1000  }
0x19: {  	[sflag:s13] =	ssyncset.done $0x0  }
0x1a: {  	s29 =	simm.s32 $0x3400;
	[sflag:s13] =	ssyncadd.s32 $0xFFFFF000  }
0x1b: {  	[hbm4b:s4+s10] =	stream.indirect.scatter [tilespmem:s11], [sflag:$0x3], $0x20, s29, s10, $0xb8;
	[tilespmem:$0x8800] =	vst v63  }
0x1c: {  	_ =	swait.ge [sflag:s14], $0x1000  }
0x1d: {  	[sflag:s14] =	ssyncset.done $0x0  }
0x1e: {  	s30 =	simm.s32 $0x100;
	[sflag:s14] =	ssyncadd.s32 $0xFFFFF000  }
0x1f: {  	[tilespmem:s11], [sflag:$0x1] =	stream.indirect.gather [hbm4b:s3+s10], $0x20, s30, s10, $0xb8;
	[tilespmem:$0x8800] =	vst v63  }
0x20: {  	_ =	swait.ge [sflag:s15], $0x1000  }
0x21: {  	[sflag:s15] =	ssyncset.done $0x0  }
0x22: {  	s31 =	simm.s32 $0x3480;
	[sflag:s15] =	ssyncadd.s32 $0xFFFFF000  }
0x23: {  	[hbm4b:s4+s10] =	stream.indirect.scatter [tilespmem:s12], [sflag:$0x3], $0x20, s31, s10, $0xb8;
	[tilespmem:$0x8800] =	vst v63  }
0x24: {  	_ =	swait.ge [sflag:s14], $0x1000  }
0x25: {  	s21 =	simm.s32 $0x800;
	s20 =	simm.s32 $0x100;
	[sflag:s14] =	ssyncset.done $0x0  }
.LBB2_2:
0x26: {  	s22 =	sadd.s32 $0x80, s20  }
0x27: {  	[sflag:s14] =	ssyncadd.s32 $0xFFFFF000;
	s23 =	smov.u32 s21;
	s24 =	sadd.s32 $0x400, s21  }
0x28: {  	[tilespmem:s12], [sflag:$0x2] =	stream.indirect.gather [hbm4b:s3+s10], $0x20, s22, s10, $0xb8;
	[tilespmem:$0x8800] =	vst v63  }
0x29: {  	p0 =	sne.s32 s21, $0xC800;
	_ =	swait.ge [sflag:s13], $0x1000  }
0x2a: {  	[sflag:s13] =	ssyncset.done $0x0  }
0x2b: {  	s21 =	sadd.s32 $0x3400, s20;
	[sflag:s13] =	ssyncadd.s32 $0xFFFFF000  }
0x2c: {  	[hbm4b:s4+s10] =	stream.indirect.scatter [tilespmem:s11], [sflag:$0x3], $0x20, s21, s10, $0xb8;
	[tilespmem:$0x8800] =	vst v63  }
0x2d: {  	_ =	swait.ge [sflag:s14], $0x1000  }
0x2e: {  	[sflag:s14] =	ssyncset.done $0x0  }
0x2f: {  	s21 =	sadd.s32 $0x100, s20;
	[sflag:s14] =	ssyncadd.s32 $0xFFFFF000  }
0x30: {  	[tilespmem:s11], [sflag:$0x1] =	stream.indirect.gather [hbm4b:s3+s10], $0x20, s21, s10, $0xb8;
	[tilespmem:$0x8800] =	vst v63  }
0x31: {  	_ =	swait.ge [sflag:s15], $0x1000  }
.Ltmp0:
0x32: {  	[sflag:s15] =	ssyncset.done $0x0;
	(pc) =	sbr.rel @p0 .LBB2_2-.Ltmp0, $4  }
0x33: {  	s20 =	sadd.s32 $0x3480, s20;
	[sflag:s15] =	ssyncadd.s32 $0xFFFFF000  }
0x34: {  	[hbm4b:s4+s10] =	stream.indirect.scatter [tilespmem:s12], [sflag:$0x3], $0x20, s20, s10, $0xb8;
	[tilespmem:$0x8800] =	vst v63  }
0x35: {  	_ =	swait.ge [sflag:s14], $0x1000  }
0x36: {  	s21 =	smov.u32 s24;
	s20 =	sshra.s32 s23, $0x2;
	[sflag:s14] =	ssyncset.done $0x0  }
0x37: {  	s21 =	sadd.s32 $0x80, s20;
	[sflag:s14] =	ssyncadd.s32 $0xFFFFF000  }
0x38: {  	[tilespmem:s12], [sflag:$0x2] =	stream.indirect.gather [hbm4b:s3+s10], $0x20, s21, s10, $0xb8;
	[tilespmem:$0x8800] =	vst v63  }
0x39: {  	_ =	swait.ge [sflag:s13], $0x1000  }
0x3a: {  	[sflag:s13] =	ssyncset.done $0x0  }
0x3b: {  	s29 =	sadd.s32 $0x3400, s20;
	[sflag:s13] =	ssyncadd.s32 $0xFFFFF000  }
0x3c: {  	[hbm4b:s4+s10] =	stream.indirect.scatter [tilespmem:s11], [sflag:$0x3], $0x20, s29, s10, $0xb8;
	[tilespmem:$0x8800] =	vst v63  }
0x3d: {  	_ =	swait.ge [sflag:s14], $0x1000  }
0x3e: {  	[sflag:s14] =	ssyncset.done $0x0  }
0x3f: {  	s30 =	sadd.s32 $0x100, s20;
	[sflag:s14] =	ssyncadd.s32 $0xFFFFF000  }
0x40: {  	[tilespmem:s11], [sflag:$0x1] =	stream.indirect.gather [hbm4b:s3+s10], $0x20, s30, s10, $0xb8;
	[tilespmem:$0x8800] =	vst v63  }
0x41: {  	_ =	swait.ge [sflag:s15], $0x1000  }
0x42: {  	[sflag:s15] =	ssyncset.done $0x0  }
0x43: {  	s31 =	sadd.s32 $0x3480, s20;
	[sflag:s15] =	ssyncadd.s32 $0xFFFFF000  }
0x44: {  	[hbm4b:s4+s10] =	stream.indirect.scatter [tilespmem:s12], [sflag:$0x3], $0x20, s31, s10, $0xb8;
	[tilespmem:$0x8800] =	vst v63  }
0x45: {  	_ =	swait.ge [sflag:s14], $0x1000  }
0x46: {  	[sflag:s14] =	ssyncset.done $0x0  }
0x47: {  	[sflag:s14] =	ssyncadd.s32 $0xFFFFF000  }
0x48: {  	[tilespmem:s12], [sflag:$0x2] =	stream.indirect.gather [hbm4b:s3+s10], $0x20, s16, s10, $0xb8;
	[tilespmem:$0x8800] =	vst v63  }
0x49: {  	_ =	swait.ge [sflag:s13], $0x1000  }
0x4a: {  	[sflag:s13] =	ssyncset.done $0x0  }
0x4b: {  	[sflag:s13] =	ssyncadd.s32 $0xFFFFF000  }
0x4c: {  	[hbm4b:s4+s10] =	stream.indirect.scatter [tilespmem:s11], [sflag:$0x3], $0x20, s17, s10, $0xb8;
	[tilespmem:$0x8800] =	vst v63  }
0x4d: {  	_ =	swait.ge [sflag:s14], $0x1000  }
0x4e: {  	[sflag:s14] =	ssyncset.done $0x0  }
0x4f: {  	[sflag:s14] =	ssyncadd.s32 $0xFFFFF000  }
0x50: {  	s19 =	sadd.s32 $0x1, s19;
	_ =	swait.ge [sflag:s15], $0x1000  }
0x51: {  	p0 =	sne.s32 s19, s7;
	[sflag:s15] =	ssyncset.done $0x0  }
.Ltmp1:
0x52: {  	[sflag:s15] =	ssyncadd.s32 $0xFFFFF000;
	(pc) =	sbr.rel @p0 .LBB2_1-.Ltmp1, $4  }
0x53: {  	[hbm4b:s4+s10] =	stream.indirect.scatter [tilespmem:s12], [sflag:$0x3], $0x20, s18, s10, $0xb8;
	[tilespmem:$0x8800] =	vst v63  }
0x54: {  	_ =	swait.ge [sflag:s14], $0x1000  }
0x55: {  	[sflag:s14] =	ssyncset.done $0x0  }
0x56: {  	[sflag:s14] =	ssyncadd.s32 $0xFFFFF000  }
0x57: {  	_ =	sfence.sel $0x180000  }
0x58: {  	[bflag:$0x0] =	sbarrier.arrive $0xFFFF  }
0x59: {  	p0 =	sne.s32 s0, $0x0;
	_ =	strace $0x90000047  }
0x5a: {  	s0 =	sadd.s32 @!p0 $0x100000, s1;
	[bflag:$0x2] =	sbarrier.arrive $0xFFFF  }
0x5b: {  	[sflag:s0] =	ssyncadd.tile.s32 @!p0 $0x1;
	_ =	shalt  }
.Lfunc_end2:
_tile_overlayer_lowered:
.L_overlay_start_2:
0x5c: {  	(tag) =	ssettag $0x2  }
0x5d: {  	s0 =	rddreg [dreg:$0x0];
	s2 =	stileid.u32  }
0x5e: {  	s1 =	rddreg [dreg:$0x1];
	p0 =	sne.s32 s2, $0x0  }
0x5f: {  	s3 =	rddreg [dreg:$0x2];
	[bflag:$0x3] =	sbarrier.arrive $0xFFFF;
	s2 =	simm.s32 @!p0 $0x1C04  }
0x60: {  	[timem:s3], [sflag:s2] =	dma.local @!p0 [hbm:s0], s1  }
0x61: {  	s0 =	simm.s32 @!p0 $0x4  }
0x62: {  	_ =	swait.ge @!p0 [sflag:s0], s1  }
0x63: {  	s1 =	ssub.s32 @!p0 $0x0, s1;
	[sflag:s0] =	ssyncset.done @!p0 $0x0  }
0x64: {  	[sflag:s0] =	ssyncadd.s32 @!p0 s1  }
0x65: {  	[bflag:$0x3] =	sbarrier.arrive $0xFFFF  }
0x66: {  	_ =	shalt  }

</sc_bundles>
